<compile_context>
chip_gen: v7x
topology: tpu7x:2x2x1
jax: 0.10.2.dev20260603
libtpu: 0.0.44.dev20260713+nightly
codegen_flags: <defaults>
</compile_context>

<pallas_src>
import functools

import jax
import jax.numpy as jnp
from jax import lax
from jax.experimental import pallas as pl
from jax.experimental.pallas import tpu as pltpu
from jax.experimental.pallas import tpu_sc as plsc

_PATCH = 4
_D = 32
_EMB_ROWS = 256
_L = 16


def _make_patch_embed(B, S, nw, nc):
    wpb = nw // B
    rows_w = S // wpb
    groups = rows_w // _L
    win = rows_w + 8
    mesh = plsc.VectorSubcoreMesh(core_axis_name="c", subcore_axis_name="s")

    @functools.partial(
        pl.kernel,
        mesh=mesh,
        compiler_params=pltpu.CompilerParams(
            use_tc_tiling_on_sc=False, needs_layout_passes=False
        ),
        out_type=jax.ShapeDtypeStruct((nw, rows_w, _D), jnp.float32),
        scratch_types=[
            pltpu.VMEM((win,), jnp.int32),
            pltpu.VMEM((rows_w,), jnp.int32),
            pltpu.VMEM((_D,), jnp.float32),
            pltpu.VMEM((rows_w, _D), jnp.float32),
            pltpu.SemaphoreType.DMA,
            pltpu.SemaphoreType.DMA,
        ],
    )
    def patch_embed(emb_hbm, x_hbm, pos_hbm, pad_hbm, out_hbm,
                    xwin_v, idx_v, pos_v, rows_v, xsem, gsem):
        wid = lax.axis_index("s") * nc + lax.axis_index("c")
        b = wid // wpb
        r = wid % wpb
        base = b * S + r * rows_w
        start = pl.multiple_of(base - 8, 8)

        pcp = pltpu.async_copy(pos_hbm, pos_v, gsem)

        @pl.when(r == 0)
        def _():
            pltpu.async_copy(
                x_hbm.at[pl.ds(base, rows_w)], xwin_v.at[pl.ds(0, rows_w)], xsem
            ).wait()

        @pl.when(r != 0)
        def _():
            pltpu.async_copy(x_hbm.at[pl.ds(start, win)], xwin_v, xsem).wait()

        iota = lax.iota(jnp.int32, _L)
        shift = jnp.where(r == 0, -_PATCH, _PATCH)

        def idx_body(g, _):
            offs = jnp.maximum(iota + (g * _L + shift), 0)
            idx_v[pl.ds(g * _L, _L)] = plsc.load_gather(xwin_v, [offs])
            return 0

        lax.fori_loop(0, groups, idx_body, 0)

        pcp.wait()
        pos_lo = pos_v[pl.ds(0, _L)]
        pos_hi = pos_v[pl.ds(_L, _L)]

        def fill_body(i, _):
            rows_v[i, pl.ds(0, _L)] = pos_lo
            rows_v[i, pl.ds(_L, _L)] = pos_hi
            return 0

        lax.fori_loop(0, rows_w, fill_body, 0, unroll=8)

        pltpu.async_copy(emb_hbm.at[idx_v], rows_v, gsem, add=True).wait()

        @pl.when(r == 0)
        def _():
            pltpu.sync_copy(pad_hbm, rows_v.at[pl.ds(0, _PATCH)])

        pltpu.sync_copy(rows_v, out_hbm.at[wid])

    return patch_embed


def kernel(x, emb_table, global_pos_embed, global_pad):
    B, S = x.shape
    assert S % _PATCH == 0
    info = plsc.get_sparse_core_info()
    nc = info.num_cores
    nw = nc * info.num_subcores
    assert nw % B == 0 and S % (nw // B) == 0

    out = _make_patch_embed(B, S, nw, nc)(
        emb_table,
        x.reshape(B * S).astype(jnp.int32),
        global_pos_embed.reshape(_D),
        global_pad.reshape(_PATCH, _D),
    )
    return out.reshape(B, S // _PATCH, _PATCH * _D)

# --- scband reference (transcript-rebuilt; emitter-appended) ---
"""Pipeline reference for scband-patch-embedder-26199300505909 (READ-ONLY COPY).

The authoritative reference and input builder live on the scoring server;
editing this copy changes nothing except your own understanding.
"""

import jax, jax.numpy as jnp
import numpy as np

PATCH_SIZE = 4
D_PRE = 32

def setup_inputs(seed: int = 0) -> dict:
    key = jax.random.key(seed)
    k1, k2, k3, k4 = jax.random.split(key, 4)
    x = jax.random.randint(k1, (4, 8192), 0, 256)
    emb_table = jax.random.normal(k2, (256, D_PRE), dtype=jnp.float32) * 0.02
    global_pos_embed = jax.random.normal(k3, (1, 1, D_PRE), dtype=jnp.float32)
    global_pad = jax.random.normal(k4, (1, 1, PATCH_SIZE * D_PRE), dtype=jnp.float32)
    return {"x": x, "emb_table": emb_table, "global_pos_embed": global_pos_embed, "global_pad": global_pad}


def reference(x, emb_table, global_pos_embed, global_pad):
    B, S = x.shape
    # byte embedding lookup
    byte_embeddings = jnp.take(emb_table, x, axis=0)  # [B, S, D_PRE]
    # positional embedding: param is [1,1,D_PRE]; slicing [:, :S, :] keeps it [1,1,D_PRE]
    # and it broadcasts over all positions (faithful to the torch code)
    positional_embeddings = global_pos_embed[:, :S, :]
    byte_embeddings = byte_embeddings + positional_embeddings
    # pad sequence up to a multiple of patch_size
    padded_length = (S + PATCH_SIZE - 1) // PATCH_SIZE * PATCH_SIZE
    pad_length = padded_length - S
    padded_byte_embeddings = jnp.pad(byte_embeddings, ((0, 0), (0, pad_length), (0, 0)))
    # fold bytes into patches
    patched_embeddings = padded_byte_embeddings.reshape(B, -1, PATCH_SIZE * D_PRE)
    # prepend learned global pad token, drop last patch
    pad_tok = jnp.broadcast_to(global_pad, (B, 1, PATCH_SIZE * D_PRE))
    padded_embeddings = jnp.concatenate([pad_tok, patched_embeddings], axis=1)
    return padded_embeddings[:, :-1, :]

if __name__ == "__main__":
    import jax
    _d = setup_inputs()
    print(jax.jit(kernel)(*tuple(_d.values())))

</pallas_src>

<mosaic_0001>
#map = affine_map<(d0, d1) -> (0, 0)>
#map1 = affine_map<(d0, d1) -> (0)>
#map2 = affine_map<(d0, d1) -> (0, 0, 0)>
module attributes {stable_mosaic.version = 14 : i64} {
  func.func @patch_embed(%arg0: i32, %arg1: i32, %arg2: memref<256x32xf32, #tpu.memory_space<hbm>>, %arg3: memref<32768xi32, #tpu.memory_space<hbm>>, %arg4: memref<32xf32, #tpu.memory_space<hbm>>, %arg5: memref<4x32xf32, #tpu.memory_space<hbm>>, %arg6: memref<32x1024x32xf32, #tpu.memory_space<hbm>>, %arg7: memref<1032xi32, #tpu.memory_space<vmem>>, %arg8: memref<1024xi32, #tpu.memory_space<vmem>>, %arg9: memref<32xf32, #tpu.memory_space<vmem>>, %arg10: memref<1024x32xf32, #tpu.memory_space<vmem>>, %arg11: memref<!tpu.dma_semaphore, #tpu.memory_space<semaphore_mem>>, %arg12: memref<!tpu.dma_semaphore, #tpu.memory_space<semaphore_mem>>) attributes {dimension_semantics = [#tpu.dimension_semantics<core_parallel>, #tpu.dimension_semantics<subcore_parallel>], iteration_bounds = array<i64: 2, 16>, scalar_prefetch = 0 : i64, scratch_operands = 6 : i64, tpu.core_type = #tpu.core_type<sc_vector_subcore>, window_params = [{transform_indices = #map}, {transform_indices = #map1}, {transform_indices = #map1}, {transform_indices = #map}, {transform_indices = #map2}]} {
    %mul3A = arith.constant 2 : i32
    %mul3A_0 = arith.muli %arg1, %mul3A : i32
    %add3A = arith.addi %mul3A_0, %arg0 : i32
    %jit3A = arith.constant 8 : i32
    %div3A = arith.divsi %add3A, %jit3A : i32
    %sign3A = arith.constant 0 : i32
    %sign3A_1 = arith.cmpi sgt, %add3A, %sign3A : i32
    %sign3A_2 = arith.extui %sign3A_1 : i1 to i32
    %sign3A_3 = arith.constant 0 : i32
    %sign3A_4 = arith.cmpi slt, %add3A, %sign3A_3 : i32
    %sign3A_5 = arith.extui %sign3A_4 : i1 to i32
    %sign3A_6 = arith.subi %sign3A_2, %sign3A_5 : i32
    %sign3A_7 = arith.constant 0 : i32
    %sign3A_8 = arith.cmpi sgt, %jit3A, %sign3A_7 : i32
    %sign3A_9 = arith.extui %sign3A_8 : i1 to i32
    %sign3A_10 = arith.constant 0 : i32
    %sign3A_11 = arith.cmpi slt, %jit3A, %sign3A_10 : i32
    %sign3A_12 = arith.extui %sign3A_11 : i1 to i32
    %sign3A_13 = arith.subi %sign3A_9, %sign3A_12 : i32
    %ne3A = arith.cmpi ne, %sign3A_6, %sign3A_13 : i32
    %rem3A = arith.remsi %add3A, %jit3A : i32
    %ne3A_14 = arith.constant 0 : i32
    %ne3A_15 = arith.cmpi ne, %rem3A, %ne3A_14 : i32
    %and3A = arith.andi %ne3A, %ne3A_15 : i1
    %sub3A = arith.constant 1 : i32
    %sub3A_16 = arith.subi %div3A, %sub3A : i32
    %select_n3A = arith.select %and3A, %sub3A_16, %div3A : i32
    %jit3A_17 = arith.constant 8 : i32
    %eq3A = arith.constant 0 : i32
    %eq3A_18 = arith.cmpi eq, %jit3A_17, %eq3A : i32
    %jit3A_19 = arith.constant 1 : i32
    %select_n3A_20 = arith.select %eq3A_18, %jit3A_19, %jit3A_17 : i32
    %rem3A_21 = arith.remsi %add3A, %select_n3A_20 : i32
    %ne3A_22 = arith.constant 0 : i32
    %ne3A_23 = arith.cmpi ne, %rem3A_21, %ne3A_22 : i32
    %lt3A = arith.constant 0 : i32
    %lt3A_24 = arith.cmpi slt, %rem3A_21, %lt3A : i32
    %lt3A_25 = arith.constant 0 : i32
    %lt3A_26 = arith.cmpi slt, %select_n3A_20, %lt3A_25 : i32
    %ne3A_27 = arith.xori %lt3A_24, %lt3A_26 : i1
    %and3A_28 = arith.andi %ne3A_27, %ne3A_23 : i1
    %add3A_29 = arith.addi %rem3A_21, %select_n3A_20 : i32
    %select_n3A_30 = arith.select %and3A_28, %add3A_29, %rem3A_21 : i32
    %mul3A_31 = arith.constant 8192 : i32
    %mul3A_32 = arith.muli %select_n3A, %mul3A_31 : i32
    %mul3A_33 = arith.constant 1024 : i32
    %mul3A_34 = arith.muli %select_n3A_30, %mul3A_33 : i32
    %add3A_35 = arith.addi %mul3A_32, %mul3A_34 : i32
    %sub3A_36 = arith.constant 8 : i32
    %sub3A_37 = arith.subi %add3A_35, %sub3A_36 : i32
    %multiple_of3A = tpu.assume_multiple %sub3A_37, 8 : i32
    tpu.enqueue_dma source(%arg4 : memref<32xf32, #tpu.memory_space<hbm>>) target(%arg9 : memref<32xf32, #tpu.memory_space<vmem>>) target_semaphore(%arg12 : memref<!tpu.dma_semaphore, #tpu.memory_space<semaphore_mem>>)
    %eq3A_38 = arith.constant 0 : i32
    %eq3A_39 = arith.cmpi eq, %select_n3A_30, %eq3A_38 : i32
    %convert_element_type3A = arith.extui %eq3A_39 : i1 to i32
    %cond3A = arith.constant 0 : i32
    %cond3A_40 = arith.cmpi ne, %convert_element_type3A, %cond3A : i32
    scf.if %cond3A_40 {
      %dma_start3A_76 = arith.constant 0 : i32
      %dma_start3A_77 = tpu.memref_slice %arg7[%dma_start3A_76] : memref<1032xi32, #tpu.memory_space<vmem>> -> memref<1024xi32, #tpu.memory_space<vmem>>
      %dma_start3A_78 = tpu.memref_slice %arg3[%add3A_35] : memref<32768xi32, #tpu.memory_space<hbm>> -> memref<1024xi32, #tpu.memory_space<hbm>>
      %dma_start3A_79 = arith.constant 0 : i32
      %dma_start3A_80 = tpu.memref_slice %arg7[%dma_start3A_79] : memref<1032xi32, #tpu.memory_space<vmem>> -> memref<1024xi32, #tpu.memory_space<vmem>>
      %dma_start3A_81 = tpu.memref_slice %arg3[%add3A_35] : memref<32768xi32, #tpu.memory_space<hbm>> -> memref<1024xi32, #tpu.memory_space<hbm>>
      tpu.enqueue_dma source(%dma_start3A_81 : memref<1024xi32, #tpu.memory_space<hbm>>) target(%dma_start3A_80 : memref<1024xi32, #tpu.memory_space<vmem>>) target_semaphore(%arg11 : memref<!tpu.dma_semaphore, #tpu.memory_space<semaphore_mem>>)
      %dma_wait3A_82 = arith.constant 0 : i32
      %dma_wait3A_83 = tpu.memref_slice %arg7[%dma_wait3A_82] : memref<1032xi32, #tpu.memory_space<vmem>> -> memref<1024xi32, #tpu.memory_space<vmem>>
      %dma_wait3A_84 = tpu.memref_slice %arg3[%add3A_35] : memref<32768xi32, #tpu.memory_space<hbm>> -> memref<1024xi32, #tpu.memory_space<hbm>>
      %dma_wait3A_85 = arith.constant 0 : i32
      %dma_wait3A_86 = tpu.memref_slice %arg7[%dma_wait3A_85] : memref<1032xi32, #tpu.memory_space<vmem>> -> memref<1024xi32, #tpu.memory_space<vmem>>
      %dma_wait3A_87 = tpu.memref_slice %arg3[%add3A_35] : memref<32768xi32, #tpu.memory_space<hbm>> -> memref<1024xi32, #tpu.memory_space<hbm>>
      tpu.wait_dma2 semaphore(%arg11 : memref<!tpu.dma_semaphore, #tpu.memory_space<semaphore_mem>>) src(%dma_wait3A_87 : memref<1024xi32, #tpu.memory_space<hbm>>) dst(%dma_wait3A_86 : memref<1024xi32, #tpu.memory_space<vmem>>)
    } else {
    }
    %ne3A_41 = arith.constant 0 : i32
    %ne3A_42 = arith.cmpi ne, %select_n3A_30, %ne3A_41 : i32
    %convert_element_type3A_43 = arith.extui %ne3A_42 : i1 to i32
    %cond3A_44 = arith.constant 0 : i32
    %cond3A_45 = arith.cmpi ne, %convert_element_type3A_43, %cond3A_44 : i32
    scf.if %cond3A_45 {
      %dma_start3A_76 = tpu.memref_slice %arg3[%multiple_of3A] : memref<32768xi32, #tpu.memory_space<hbm>> -> memref<1032xi32, #tpu.memory_space<hbm>>
      %dma_start3A_77 = tpu.memref_slice %arg3[%multiple_of3A] : memref<32768xi32, #tpu.memory_space<hbm>> -> memref<1032xi32, #tpu.memory_space<hbm>>
      tpu.enqueue_dma source(%dma_start3A_77 : memref<1032xi32, #tpu.memory_space<hbm>>) target(%arg7 : memref<1032xi32, #tpu.memory_space<vmem>>) target_semaphore(%arg11 : memref<!tpu.dma_semaphore, #tpu.memory_space<semaphore_mem>>)
      %dma_wait3A_78 = tpu.memref_slice %arg3[%multiple_of3A] : memref<32768xi32, #tpu.memory_space<hbm>> -> memref<1032xi32, #tpu.memory_space<hbm>>
      %dma_wait3A_79 = tpu.memref_slice %arg3[%multiple_of3A] : memref<32768xi32, #tpu.memory_space<hbm>> -> memref<1032xi32, #tpu.memory_space<hbm>>
      tpu.wait_dma2 semaphore(%arg11 : memref<!tpu.dma_semaphore, #tpu.memory_space<semaphore_mem>>) src(%dma_wait3A_79 : memref<1032xi32, #tpu.memory_space<hbm>>) dst(%arg7 : memref<1032xi32, #tpu.memory_space<vmem>>)
    } else {
    }
    %iota3A = tpu.iota {dimensions = array<i32: 0>} : vector<16xi32>
    %eq3A_46 = arith.constant 0 : i32
    %eq3A_47 = arith.cmpi eq, %select_n3A_30, %eq3A_46 : i32
    %jit3A_48 = arith.constant -4 : i32
    %jit3A_49 = arith.constant 4 : i32
    %select_n3A_50 = arith.select %eq3A_47, %jit3A_48, %jit3A_49 : i32
    %scan3A = arith.constant 0 : i32
    %scan3A_51 = arith.constant 0 : i32
    %scan3A_52 = arith.constant 64 : i32
    %scan3A_53 = arith.addi %scan3A_51, %scan3A_52 : i32
    %scan3A_54 = arith.constant 1 : i32
    %scan3A_55 = scf.for %scan3A_76 = %scan3A_51 to %scan3A_53 step %scan3A_54 iter_args(%scan3A_77 = %scan3A) -> (i32)  : i32 {
      %mul3A_78 = arith.constant 16 : i32
      %mul3A_79 = arith.muli %scan3A_76, %mul3A_78 : i32
      %add3A_80 = arith.addi %mul3A_79, %select_n3A_50 : i32
      %add3A_81 = vector.broadcast %add3A_80 : i32 to vector<16xi32>
      %add3A_82 = arith.addi %iota3A, %add3A_81 : vector<16xi32>
      %max3A = arith.constant 0 : i32
      %max3A_83 = vector.broadcast %max3A : i32 to vector<16xi32>
      %max3A_84 = arith.maxsi %add3A_82, %max3A_83 : vector<16xi32>
      %gather3A = tpu.vector_load_idx %arg7[%max3A_84] : memref<1032xi32, #tpu.memory_space<vmem>>[vector<16xi32>], vector<16xi32>,
      %mul3A_85 = arith.constant 16 : i32
      %mul3A_86 = arith.muli %scan3A_76, %mul3A_85 : i32
      %swap3A = arith.index_cast %mul3A_86 : i32 to index
      %swap3A_87 = tpu.vector_load %arg8[%swap3A] {strides = array<i32>} : memref<1024xi32, #tpu.memory_space<vmem>>, vector<16xi32>,
      tpu.vector_store %arg8[%swap3A], %gather3A {strides = array<i32>} : memref<1024xi32, #tpu.memory_space<vmem>>, vector<16xi32>,
      %scan3A_88 = arith.constant 0 : i32
      scf.yield %scan3A_88 : i32
    }
    %scan3A_56 = arith.constant 64 : i32
    tpu.wait_dma2 semaphore(%arg12 : memref<!tpu.dma_semaphore, #tpu.memory_space<semaphore_mem>>) src(%arg4 : memref<32xf32, #tpu.memory_space<hbm>>) dst(%arg9 : memref<32xf32, #tpu.memory_space<vmem>>)
    %get3A = arith.constant 0 : index
    %get3A_57 = tpu.vector_load %arg9[%get3A] {strides = array<i32>} : memref<32xf32, #tpu.memory_space<vmem>>, vector<16xf32>,
    %get3A_58 = arith.constant 16 : index
    %get3A_59 = tpu.vector_load %arg9[%get3A_58] {strides = array<i32>} : memref<32xf32, #tpu.memory_space<vmem>>, vector<16xf32>,
    %scan3A_60 = arith.constant 0 : i32
    %scan3A_61 = arith.constant 0 : i32
    %scan3A_62 = arith.constant 1024 : i32
    %scan3A_63 = arith.addi %scan3A_61, %scan3A_62 : i32
    %scan3A_64 = arith.constant 8 : i32
    %scan3A_65 = scf.for %scan3A_76 = %scan3A_61 to %scan3A_63 step %scan3A_64 iter_args(%scan3A_77 = %scan3A_60) -> (i32)  : i32 {
      %swap3A = arith.index_cast %scan3A_76 : i32 to index
      %swap3A_78 = arith.constant 0 : index
      %swap3A_79 = tpu.vector_load %arg10[%swap3A, %swap3A_78] {strides = array<i32>} : memref<1024x32xf32, #tpu.memory_space<vmem>>, vector<16xf32>,
      tpu.vector_store %arg10[%swap3A, %swap3A_78], %get3A_57 {strides = array<i32>} : memref<1024x32xf32, #tpu.memory_space<vmem>>, vector<16xf32>,
      %swap3A_80 = arith.index_cast %scan3A_76 : i32 to index
      %swap3A_81 = arith.constant 16 : index
      %swap3A_82 = tpu.vector_load %arg10[%swap3A_80, %swap3A_81] {strides = array<i32>} : memref<1024x32xf32, #tpu.memory_space<vmem>>, vector<16xf32>,
      tpu.vector_store %arg10[%swap3A_80, %swap3A_81], %get3A_59 {strides = array<i32>} : memref<1024x32xf32, #tpu.memory_space<vmem>>, vector<16xf32>,
      %scan3A_83 = arith.constant 0 : i32
      %scan3A_84 = arith.constant 1 : i32
      %scan3A_85 = arith.addi %scan3A_76, %scan3A_84 : i32
      %swap3A_86 = arith.index_cast %scan3A_85 : i32 to index
      %swap3A_87 = arith.constant 0 : index
      %swap3A_88 = tpu.vector_load %arg10[%swap3A_86, %swap3A_87] {strides = array<i32>} : memref<1024x32xf32, #tpu.memory_space<vmem>>, vector<16xf32>,
      tpu.vector_store %arg10[%swap3A_86, %swap3A_87], %get3A_57 {strides = array<i32>} : memref<1024x32xf32, #tpu.memory_space<vmem>>, vector<16xf32>,
      %swap3A_89 = arith.index_cast %scan3A_85 : i32 to index
      %swap3A_90 = arith.constant 16 : index
      %swap3A_91 = tpu.vector_load %arg10[%swap3A_89, %swap3A_90] {strides = array<i32>} : memref<1024x32xf32, #tpu.memory_space<vmem>>, vector<16xf32>,
      tpu.vector_store %arg10[%swap3A_89, %swap3A_90], %get3A_59 {strides = array<i32>} : memref<1024x32xf32, #tpu.memory_space<vmem>>, vector<16xf32>,
      %scan3A_92 = arith.constant 0 : i32
      %scan3A_93 = arith.constant 2 : i32
      %scan3A_94 = arith.addi %scan3A_76, %scan3A_93 : i32
      %swap3A_95 = arith.index_cast %scan3A_94 : i32 to index
      %swap3A_96 = arith.constant 0 : index
      %swap3A_97 = tpu.vector_load %arg10[%swap3A_95, %swap3A_96] {strides = array<i32>} : memref<1024x32xf32, #tpu.memory_space<vmem>>, vector<16xf32>,
      tpu.vector_store %arg10[%swap3A_95, %swap3A_96], %get3A_57 {strides = array<i32>} : memref<1024x32xf32, #tpu.memory_space<vmem>>, vector<16xf32>,
      %swap3A_98 = arith.index_cast %scan3A_94 : i32 to index
      %swap3A_99 = arith.constant 16 : index
      %swap3A_100 = tpu.vector_load %arg10[%swap3A_98, %swap3A_99] {strides = array<i32>} : memref<1024x32xf32, #tpu.memory_space<vmem>>, vector<16xf32>,
      tpu.vector_store %arg10[%swap3A_98, %swap3A_99], %get3A_59 {strides = array<i32>} : memref<1024x32xf32, #tpu.memory_space<vmem>>, vector<16xf32>,
      %scan3A_101 = arith.constant 0 : i32
      %scan3A_102 = arith.constant 3 : i32
      %scan3A_103 = arith.addi %scan3A_76, %scan3A_102 : i32
      %swap3A_104 = arith.index_cast %scan3A_103 : i32 to index
      %swap3A_105 = arith.constant 0 : index
      %swap3A_106 = tpu.vector_load %arg10[%swap3A_104, %swap3A_105] {strides = array<i32>} : memref<1024x32xf32, #tpu.memory_space<vmem>>, vector<16xf32>,
      tpu.vector_store %arg10[%swap3A_104, %swap3A_105], %get3A_57 {strides = array<i32>} : memref<1024x32xf32, #tpu.memory_space<vmem>>, vector<16xf32>,
      %swap3A_107 = arith.index_cast %scan3A_103 : i32 to index
      %swap3A_108 = arith.constant 16 : index
      %swap3A_109 = tpu.vector_load %arg10[%swap3A_107, %swap3A_108] {strides = array<i32>} : memref<1024x32xf32, #tpu.memory_space<vmem>>, vector<16xf32>,
      tpu.vector_store %arg10[%swap3A_107, %swap3A_108], %get3A_59 {strides = array<i32>} : memref<1024x32xf32, #tpu.memory_space<vmem>>, vector<16xf32>,
      %scan3A_110 = arith.constant 0 : i32
      %scan3A_111 = arith.constant 4 : i32
      %scan3A_112 = arith.addi %scan3A_76, %scan3A_111 : i32
      %swap3A_113 = arith.index_cast %scan3A_112 : i32 to index
      %swap3A_114 = arith.constant 0 : index
      %swap3A_115 = tpu.vector_load %arg10[%swap3A_113, %swap3A_114] {strides = array<i32>} : memref<1024x32xf32, #tpu.memory_space<vmem>>, vector<16xf32>,
      tpu.vector_store %arg10[%swap3A_113, %swap3A_114], %get3A_57 {strides = array<i32>} : memref<1024x32xf32, #tpu.memory_space<vmem>>, vector<16xf32>,
      %swap3A_116 = arith.index_cast %scan3A_112 : i32 to index
      %swap3A_117 = arith.constant 16 : index
      %swap3A_118 = tpu.vector_load %arg10[%swap3A_116, %swap3A_117] {strides = array<i32>} : memref<1024x32xf32, #tpu.memory_space<vmem>>, vector<16xf32>,
      tpu.vector_store %arg10[%swap3A_116, %swap3A_117], %get3A_59 {strides = array<i32>} : memref<1024x32xf32, #tpu.memory_space<vmem>>, vector<16xf32>,
      %scan3A_119 = arith.constant 0 : i32
      %scan3A_120 = arith.constant 5 : i32
      %scan3A_121 = arith.addi %scan3A_76, %scan3A_120 : i32
      %swap3A_122 = arith.index_cast %scan3A_121 : i32 to index
      %swap3A_123 = arith.constant 0 : index
      %swap3A_124 = tpu.vector_load %arg10[%swap3A_122, %swap3A_123] {strides = array<i32>} : memref<1024x32xf32, #tpu.memory_space<vmem>>, vector<16xf32>,
      tpu.vector_store %arg10[%swap3A_122, %swap3A_123], %get3A_57 {strides = array<i32>} : memref<1024x32xf32, #tpu.memory_space<vmem>>, vector<16xf32>,
      %swap3A_125 = arith.index_cast %scan3A_121 : i32 to index
      %swap3A_126 = arith.constant 16 : index
      %swap3A_127 = tpu.vector_load %arg10[%swap3A_125, %swap3A_126] {strides = array<i32>} : memref<1024x32xf32, #tpu.memory_space<vmem>>, vector<16xf32>,
      tpu.vector_store %arg10[%swap3A_125, %swap3A_126], %get3A_59 {strides = array<i32>} : memref<1024x32xf32, #tpu.memory_space<vmem>>, vector<16xf32>,
      %scan3A_128 = arith.constant 0 : i32
      %scan3A_129 = arith.constant 6 : i32
      %scan3A_130 = arith.addi %scan3A_76, %scan3A_129 : i32
      %swap3A_131 = arith.index_cast %scan3A_130 : i32 to index
      %swap3A_132 = arith.constant 0 : index
      %swap3A_133 = tpu.vector_load %arg10[%swap3A_131, %swap3A_132] {strides = array<i32>} : memref<1024x32xf32, #tpu.memory_space<vmem>>, vector<16xf32>,
      tpu.vector_store %arg10[%swap3A_131, %swap3A_132], %get3A_57 {strides = array<i32>} : memref<1024x32xf32, #tpu.memory_space<vmem>>, vector<16xf32>,
      %swap3A_134 = arith.index_cast %scan3A_130 : i32 to index
      %swap3A_135 = arith.constant 16 : index
      %swap3A_136 = tpu.vector_load %arg10[%swap3A_134, %swap3A_135] {strides = array<i32>} : memref<1024x32xf32, #tpu.memory_space<vmem>>, vector<16xf32>,
      tpu.vector_store %arg10[%swap3A_134, %swap3A_135], %get3A_59 {strides = array<i32>} : memref<1024x32xf32, #tpu.memory_space<vmem>>, vector<16xf32>,
      %scan3A_137 = arith.constant 0 : i32
      %scan3A_138 = arith.constant 7 : i32
      %scan3A_139 = arith.addi %scan3A_76, %scan3A_138 : i32
      %swap3A_140 = arith.index_cast %scan3A_139 : i32 to index
      %swap3A_141 = arith.constant 0 : index
      %swap3A_142 = tpu.vector_load %arg10[%swap3A_140, %swap3A_141] {strides = array<i32>} : memref<1024x32xf32, #tpu.memory_space<vmem>>, vector<16xf32>,
      tpu.vector_store %arg10[%swap3A_140, %swap3A_141], %get3A_57 {strides = array<i32>} : memref<1024x32xf32, #tpu.memory_space<vmem>>, vector<16xf32>,
      %swap3A_143 = arith.index_cast %scan3A_139 : i32 to index
      %swap3A_144 = arith.constant 16 : index
      %swap3A_145 = tpu.vector_load %arg10[%swap3A_143, %swap3A_144] {strides = array<i32>} : memref<1024x32xf32, #tpu.memory_space<vmem>>, vector<16xf32>,
      tpu.vector_store %arg10[%swap3A_143, %swap3A_144], %get3A_59 {strides = array<i32>} : memref<1024x32xf32, #tpu.memory_space<vmem>>, vector<16xf32>,
      %scan3A_146 = arith.constant 0 : i32
      scf.yield %scan3A_146 : i32
    }
    %scan3A_66 = arith.constant 1024 : i32
    %dma_start3A = arith.constant 0 : i32
    %dma_start3A_67 = arith.constant 0 : i32
    %dma_start3A_68 = tpu.memref_slice %arg2[%dma_start3A, %dma_start3A_67] : memref<256x32xf32, #tpu.memory_space<hbm>> -> memref<256x32xf32, #tpu.memory_space<hbm>>
    tpu.enqueue_indirect_dma source(%dma_start3A_68 : memref<256x32xf32, #tpu.memory_space<hbm>>) target(%arg10 : memref<1024x32xf32, #tpu.memory_space<vmem>>) offsets(%arg8 : memref<1024xi32, #tpu.memory_space<vmem>>) semaphore(%arg12 : memref<!tpu.dma_semaphore, #tpu.memory_space<semaphore_mem>>) {add = true}
    %dma_wait3A = arith.constant 0 : i32
    %dma_wait3A_69 = arith.constant 0 : i32
    %dma_wait3A_70 = tpu.memref_slice %arg2[%dma_wait3A, %dma_wait3A_69] : memref<256x32xf32, #tpu.memory_space<hbm>> -> memref<256x32xf32, #tpu.memory_space<hbm>>
    tpu.wait_indirect_dma semaphore(%arg12 : memref<!tpu.dma_semaphore, #tpu.memory_space<semaphore_mem>>) src(%dma_wait3A_70 : memref<256x32xf32, #tpu.memory_space<hbm>>) dst(%arg10 : memref<1024x32xf32, #tpu.memory_space<vmem>>)
    %eq3A_71 = arith.constant 0 : i32
    %eq3A_72 = arith.cmpi eq, %select_n3A_30, %eq3A_71 : i32
    %convert_element_type3A_73 = arith.extui %eq3A_72 : i1 to i32
    %cond3A_74 = arith.constant 0 : i32
    %cond3A_75 = arith.cmpi ne, %convert_element_type3A_73, %cond3A_74 : i32
    scf.if %cond3A_75 {
      "tpu.region"() ({
        %run_scoped3A = tpu.sem_alloc : memref<!tpu.dma_semaphore, #tpu.memory_space<semaphore_mem>>
        %dma_start3A_76 = arith.constant 0 : i32
        %dma_start3A_77 = arith.constant 0 : i32
        %dma_start3A_78 = tpu.memref_slice %arg10[%dma_start3A_76, %dma_start3A_77] : memref<1024x32xf32, #tpu.memory_space<vmem>> -> memref<4x32xf32, #tpu.memory_space<vmem>>
        %dma_start3A_79 = arith.constant 0 : i32
        %dma_start3A_80 = arith.constant 0 : i32
        %dma_start3A_81 = tpu.memref_slice %arg10[%dma_start3A_79, %dma_start3A_80] : memref<1024x32xf32, #tpu.memory_space<vmem>> -> memref<4x32xf32, #tpu.memory_space<vmem>>
        tpu.enqueue_dma source(%arg5 : memref<4x32xf32, #tpu.memory_space<hbm>>) target(%dma_start3A_81 : memref<4x32xf32, #tpu.memory_space<vmem>>) target_semaphore(%run_scoped3A : memref<!tpu.dma_semaphore, #tpu.memory_space<semaphore_mem>>)
        %dma_wait3A_82 = arith.constant 0 : i32
        %dma_wait3A_83 = arith.constant 0 : i32
        %dma_wait3A_84 = tpu.memref_slice %arg10[%dma_wait3A_82, %dma_wait3A_83] : memref<1024x32xf32, #tpu.memory_space<vmem>> -> memref<4x32xf32, #tpu.memory_space<vmem>>
        %dma_wait3A_85 = arith.constant 0 : i32
        %dma_wait3A_86 = arith.constant 0 : i32
        %dma_wait3A_87 = tpu.memref_slice %arg10[%dma_wait3A_85, %dma_wait3A_86] : memref<1024x32xf32, #tpu.memory_space<vmem>> -> memref<4x32xf32, #tpu.memory_space<vmem>>
        tpu.wait_dma2 semaphore(%run_scoped3A : memref<!tpu.dma_semaphore, #tpu.memory_space<semaphore_mem>>) src(%arg5 : memref<4x32xf32, #tpu.memory_space<hbm>>) dst(%dma_wait3A_87 : memref<4x32xf32, #tpu.memory_space<vmem>>)
        tpu.yield
      }) : () -> ()
    } else {
    }
    "tpu.region"() ({
      %run_scoped3A = tpu.sem_alloc : memref<!tpu.dma_semaphore, #tpu.memory_space<semaphore_mem>>
      %dma_start3A_76 = arith.constant 0 : i32
      %dma_start3A_77 = arith.constant 0 : i32
      %dma_start3A_78 = tpu.memref_slice %arg6[%add3A, %dma_start3A_76, %dma_start3A_77] : memref<32x1024x32xf32, #tpu.memory_space<hbm>> -> memref<1x1024x32xf32, #tpu.memory_space<hbm>>
      %dma_start3A_79 = tpu.memref_squeeze %dma_start3A_78 : memref<1x1024x32xf32, #tpu.memory_space<hbm>> -> memref<1024x32xf32, #tpu.memory_space<hbm>>
      %dma_start3A_80 = arith.constant 0 : i32
      %dma_start3A_81 = arith.constant 0 : i32
      %dma_start3A_82 = tpu.memref_slice %arg6[%add3A, %dma_start3A_80, %dma_start3A_81] : memref<32x1024x32xf32, #tpu.memory_space<hbm>> -> memref<1x1024x32xf32, #tpu.memory_space<hbm>>
      %dma_start3A_83 = tpu.memref_squeeze %dma_start3A_82 : memref<1x1024x32xf32, #tpu.memory_space<hbm>> -> memref<1024x32xf32, #tpu.memory_space<hbm>>
      tpu.enqueue_dma source(%arg10 : memref<1024x32xf32, #tpu.memory_space<vmem>>) target(%dma_start3A_83 : memref<1024x32xf32, #tpu.memory_space<hbm>>) target_semaphore(%run_scoped3A : memref<!tpu.dma_semaphore, #tpu.memory_space<semaphore_mem>>)
      %dma_wait3A_84 = arith.constant 0 : i32
      %dma_wait3A_85 = arith.constant 0 : i32
      %dma_wait3A_86 = tpu.memref_slice %arg6[%add3A, %dma_wait3A_84, %dma_wait3A_85] : memref<32x1024x32xf32, #tpu.memory_space<hbm>> -> memref<1x1024x32xf32, #tpu.memory_space<hbm>>
      %dma_wait3A_87 = tpu.memref_squeeze %dma_wait3A_86 : memref<1x1024x32xf32, #tpu.memory_space<hbm>> -> memref<1024x32xf32, #tpu.memory_space<hbm>>
      %dma_wait3A_88 = arith.constant 0 : i32
      %dma_wait3A_89 = arith.constant 0 : i32
      %dma_wait3A_90 = tpu.memref_slice %arg6[%add3A, %dma_wait3A_88, %dma_wait3A_89] : memref<32x1024x32xf32, #tpu.memory_space<hbm>> -> memref<1x1024x32xf32, #tpu.memory_space<hbm>>
      %dma_wait3A_91 = tpu.memref_squeeze %dma_wait3A_90 : memref<1x1024x32xf32, #tpu.memory_space<hbm>> -> memref<1024x32xf32, #tpu.memory_space<hbm>>
      tpu.wait_dma2 semaphore(%run_scoped3A : memref<!tpu.dma_semaphore, #tpu.memory_space<semaphore_mem>>) src(%arg10 : memref<1024x32xf32, #tpu.memory_space<vmem>>) dst(%dma_wait3A_91 : memref<1024x32xf32, #tpu.memory_space<hbm>>)
      tpu.yield
    }) : () -> ()
    return
  }
}

</mosaic_0001>

<sc_bundles>
// kernel: kernel.3.cloned.1.call-start
scs
__scs_entry_jumppad:
0x0: {  	(pc) =	sbr.rel $0x88, $3  }
0x1: {  	(tag) =	ssettag $0x0;
	lr =	simm.s32 $0x1  }
0x2: {  	[smem:$0x3F9D] =	sst lr;
	_ =	strace $0xD0000000  }
0x3: {  	_ = 	snop  }
0x4: {  	_ = 	snop  }
0x5: {  	_ = 	snop  }
0x6: {  	_ = 	snop  }
0x7: {  	_ = 	snop  }
__scs_overlays_trampoline_lowered:
0x8: {  	[smem:$0x3FAC] =	sst s0  }
0x9: {  	[smem:$0x3FAD] =	sst s1  }
0xa: {  	[smem:$0x3FAE] =	sst s2  }
0xb: {  	[smem:$0x3FAF] =	sst s3  }
0xc: {  	[smem:$0x3FB0] =	sst s4  }
0xd: {  	[smem:$0x3FB1] =	sst s5  }
0xe: {  	[smem:$0x3FB2] =	sst s6  }
0xf: {  	[smem:$0x3FB3] =	sst s7  }
0x10: {  	[smem:$0x3FB4] =	sst s8  }
0x11: {  	[smem:$0x3FB5] =	sst s9;
	s0 =	simm.s32 @!p0 $0x0  }
0x12: {  	s1 =	sld [smem:$0x3F9B];
	s0 =	simm.s32 @p0 $0x1  }
0x13: {  	[smem:$0x3FB6] =	sst s0;
	s0 =	simm.s32 @!p1 $0x0  }
0x14: {  	s2 =	sld [smem:$0x3F9A];
	s0 =	simm.s32 @p1 $0x1  }
0x15: {  	[smem:$0x3FB7] =	sst s0;
	s0 =	simm.s32 @!p2 $0x0  }
0x16: {  	s3 =	sld [smem:$0x3FDB];
	s0 =	simm.s32 @p2 $0x1  }
0x17: {  	s4 =	simm.s32 $0x1BF5;
	[smem:$0x3FB9] =	sst s0  }
0x18: {  	s0 =	sld [smem:$0x3F9C];
	_ =	swait.ge [sflag:s4], $0x0  }
0x19: {  	s7 =	sld [smem:$0x3F9D]  }
0x1a: {  	s8 =	sadd.s32 $0xFFFFE003, lr  }
0x1b: {  	s9 =	sadd.s32 $0xFFFFFEF7, lr;
	s5 =	simm.s32 $0xFFFFFFFF;
	p2 =	slt.u32 s8, $0xFFFFF086  }
0x1c: {  	p1 =	slt.u32 s9, $0xF7A;
	s5 =	simm.s32 @!p2 $0x0  }
0x1d: {  	s5 =	simm.s32 @p1 $0x1;
	p0 =	seq.s32 s7, s2  }
0x1e: {  	s7 =	smul.u32 @!p0 $0xF7A, s2;
	p2 =	seq.s32 @!p0 s5, $0x0  }
0x1f: {  	s9 =	smul.u32 $0xF7A, s1;
	s8 =	simm.s32 @!p0 $0x1BF5;
	p2 =	por !p2, p0  }
0x20: {  	[sflag:s8] =	ssyncset.s32 @!p0 $0xFFFFF086;
	s6 =	sadd.s32 @!p0 s3, s7;
	s7 =	simm.s32 @!p0 $0x108  }
0x21: {  	s3 =	sadd.s32 s3, s9;
	s6 =	sadd.s32 @!p0 $0x88, s6;
	s7 =	simm.s32 @p2 $0x1082  }
0x22: {  	[simem:s7], [sflag:s8] =	dma.local @!p0 [hbm:s6], $0xF7A  }
0x23: {  	s9 =	sor.u32 $0xD0000000, s2;
	s6 =	simm.s32 $0x108;
	_ =	swait.ge @!p0 [sflag:s8], $0x0  }
0x24: {  	s3 =	sadd.s32 $0x88, s3;
	s6 =	simm.s32 @!p1 $0x1082;
	[sflag:s4] =	ssyncset.s32 $0xFFFFF086  }
0x25: {  	[simem:s6], [sflag:s4] =	dma.local [hbm:s3], $0xF7A  }
0x26: {  	[smem:$0x3F9D] =	sst s1;
	(tag) =	ssettag s2;
	_ =	strace s9  }
0x27: {  	s1 =	sld [smem:$0x3FAD]  }
0x28: {  	s2 =	sld [smem:$0x3FAE]  }
0x29: {  	s4 =	sld [smem:$0x3FB0]  }
0x2a: {  	p0 =	seq.s32 s5, $0x0;
	s5 =	sld [smem:$0x3FB1]  }
0x2b: {  	s6 =	sld [smem:$0x3FB2]  }
0x2c: {  	s7 =	sld [smem:$0x3FB3]  }
0x2d: {  	s3 =	simm.s32 $0x108;
	s8 =	sld [smem:$0x3FB4]  }
0x2e: {  	s3 =	simm.s32 @!p0 $0x1082;
	s9 =	sld [smem:$0x3FB5]  }
0x2f: {  	lr =	sadd.s32 s0, s3;
	s0 =	sld [smem:$0x3FAC]  }
0x30: {  	s3 =	sld [smem:$0x3FAF]  }
0x31: {  	[smem:$0x3FB8] =	sst s10  }
0x32: {  	s10 =	sld [smem:$0x3FB6];
	_ =	sdelay $0x3  }
0x33: {  	p0 =	seq.s32 s10, $0x1;
	s10 =	sld [smem:$0x3FB8];
	_ =	sdelay $0x3  }
0x34: {  	[smem:$0x3FB8] =	sst s10  }
0x35: {  	s10 =	sld [smem:$0x3FB7];
	_ =	sdelay $0x3  }
0x36: {  	p1 =	seq.s32 s10, $0x1;
	s10 =	sld [smem:$0x3FB8];
	_ =	sdelay $0x3  }
0x37: {  	[smem:$0x3FB8] =	sst s10  }
0x38: {  	s10 =	sld [smem:$0x3FB9]  }
0x39: {  	_ = 	snop;
	(pc) =	sbr.ind lr, $3  }
0x3a: {  	_ = 	snop  }
0x3b: {  	_ = 	snop  }
0x3c: {  	p2 =	seq.s32 s10, $0x1;
	s10 =	sld [smem:$0x3FB8]  }
0x3d: {  	_ =	shalt  }
0x3e: {  	_ =	shalt  }
0x3f: {  	_ =	shalt  }
0x40: {  	_ =	shalt  }
0x41: {  	_ =	shalt  }
0x42: {  	_ =	shalt  }
0x43: {  	_ =	shalt  }
0x44: {  	_ =	shalt  }
0x45: {  	_ =	shalt  }
0x46: {  	_ =	shalt  }
0x47: {  	_ =	shalt  }
0x48: {  	_ =	shalt  }
0x49: {  	_ =	shalt  }
0x4a: {  	_ =	shalt  }
0x4b: {  	_ =	shalt  }
0x4c: {  	_ =	shalt  }
0x4d: {  	_ =	shalt  }
0x4e: {  	_ =	shalt  }
0x4f: {  	_ =	shalt  }
0x50: {  	_ =	shalt  }
0x51: {  	_ =	shalt  }
0x52: {  	_ =	shalt  }
0x53: {  	_ =	shalt  }
0x54: {  	_ =	shalt  }
0x55: {  	_ =	shalt  }
0x56: {  	_ =	shalt  }
0x57: {  	_ =	shalt  }
0x58: {  	_ =	shalt  }
0x59: {  	_ =	shalt  }
0x5a: {  	_ =	shalt  }
0x5b: {  	_ =	shalt  }
0x5c: {  	_ =	shalt  }
0x5d: {  	_ =	shalt  }
0x5e: {  	_ =	shalt  }
0x5f: {  	_ =	shalt  }
0x60: {  	_ =	shalt  }
0x61: {  	_ =	shalt  }
0x62: {  	_ =	shalt  }
0x63: {  	_ =	shalt  }
0x64: {  	_ =	shalt  }
0x65: {  	_ =	shalt  }
0x66: {  	_ =	shalt  }
0x67: {  	_ =	shalt  }
0x68: {  	_ =	shalt  }
0x69: {  	_ =	shalt  }
0x6a: {  	_ =	shalt  }
0x6b: {  	_ =	shalt  }
0x6c: {  	_ =	shalt  }
0x6d: {  	_ =	shalt  }
0x6e: {  	_ =	shalt  }
0x6f: {  	_ =	shalt  }
0x70: {  	_ =	shalt  }
0x71: {  	_ =	shalt  }
0x72: {  	_ =	shalt  }
0x73: {  	_ =	shalt  }
0x74: {  	_ =	shalt  }
0x75: {  	_ =	shalt  }
0x76: {  	_ =	shalt  }
0x77: {  	_ =	shalt  }
0x78: {  	_ =	shalt  }
0x79: {  	_ =	shalt  }
0x7a: {  	_ =	shalt  }
0x7b: {  	_ =	shalt  }
0x7c: {  	_ =	shalt  }
0x7d: {  	_ =	shalt  }
0x7e: {  	_ =	shalt  }
0x7f: {  	_ =	shalt  }
0x80: {  	_ =	shalt  }
0x81: {  	_ =	shalt  }
0x82: {  	_ =	shalt  }
0x83: {  	_ =	shalt  }
0x84: {  	_ =	shalt  }
0x85: {  	_ =	shalt  }
0x86: {  	_ =	shalt  }
0x87: {  	_ =	shalt  }
.Lfunc_end0:
.L_simem_size_0:
called_computation_lowered:
.L_overlay_start_0:
0x88: {  	s2 =	sld [smem:$0x3FD9]  }
0x89: {  	s3 =	sld [smem:$0x3FFE];
	_ =	sdelay $0x1  }
0x8a: {  	s1 =	srdreg.scid  }
0x8b: {  	s0 =	sand.u32 $0x1, s1  }
0x8c: {  	s17 =	sshll.u32 s0, $0xA;
	s2 =	sadd.s32 s3, s2  }
0x8d: {  	s2 =	sadd.s32 s2, s17  }
0x8e: {  	[smem:$0x3FC4] =	sst s2  }
0x8f: {  	_ = 	snop  }
0x90: {  	s2 =	sld [smem:$0x3FC7]  }
0x91: {  	s18 =	sld [smem:$0x3FC6]  }
0x92: {  	s4 =	sld [smem:$0x3FD0];
	(tm) =	ssettm $0x1  }
0x93: {  	s5 =	sld [smem:$0x3FFB];
	_ =	sdelay $0x3  }
0x94: {  	_ =	strace s5  }
0x95: {  	s5 =	sld [smem:$0x3FFC];
	_ =	sdelay $0x3  }
0x96: {  	_ =	strace s5  }
0x97: {  	s5 =	sld [smem:$0x3FFD];
	_ =	sdelay $0x3  }
0x98: {  	_ =	strace s5  }
0x99: {  	_ =	strace $0x8FFFFFFF  }
0x9a: {  	s19 =	sld [smem:$0x3FDB];
	_ =	sdelay $0x1  }
0x9b: {  	s6 =	simm.s32 $_scs_section_size  }
0x9c: {  	s7 =	simm.s32 $_size__tile_overlayer_lowered;
	s8 =	simm.s32 $_tile_overlayer_lowered  }
0x9d: {  	s22 =	simm.s32 $0x1BFF;
	s21 =	sshll.u32 s8, $0x1;
	s5 =	sadd.s32 s6, s19  }
0x9e: {  	s9 =	simm.s32 $0x0;
	s20 =	sshll.u32 s7, $0x1;
	s7 =	sadd.s32 s21, s5  }
0x9f: {  	[timem:s9], [sflag:s22] =	dma.local [hbm:s7], s20  }
0xa0: {  	_ =	swait.ge [sflag:s22], s20  }
0xa1: {  	s6 =	ssub.s32 $0x0, s20;
	[sflag:s22] =	ssyncset.done $0x0  }
0xa2: {  	[sflag:s22] =	ssyncadd.s32 s6;
	_ =	sdelay $0x1  }
0xa3: {  	s23 =	simm.s32 $0x1B8B  }
0xa4: {  	_ =	swait.ge [sflag:s23], $0x1  }
0xa5: {  	[sflag:s23] =	ssyncset.done $0x0  }
0xa6: {  	s25 =	simm.s32 $0x1B8E;
	s24 =	sld [smem:$0x3FFE];
	[sflag:s23] =	ssyncadd.s32 $0xFFFFFFFF  }
0xa7: {  	s26 =	simm.s32 $execute0_lowered;
	[smem:$0x3FD2] =	sst s25  }
0xa8: {  	s7 =	sshll.u32 s26, $0x1;
	_ =	strace $0x80000046;
	[dreg:$0x1] =	wrdreg $0xFFFFFFFF  }
0xa9: {  	s28 =	simm.s32 $_size_execute0_lowered;
	s5 =	sadd.s32 s5, s7;
	[dreg:$0x0] =	wrdreg $0x0  }
0xaa: {  	s7 =	sshll.u32 s28, $0x1;
	[dreg:$0x2] =	wrdreg s5  }
0xab: {  	[dreg:$0x3] =	wrdreg s7  }
0xac: {  	[dreg:$0x4] =	wrdreg $0xC0  }
0xad: {  	_ =	task [dreg:s9], $0x5FFFF  }
0xae: {  	[dreg:$0x1] =	wrdreg $0xFFFFFFFF  }
0xaf: {  	[dreg:$0x0] =	wrdreg $0x60  }
0xb0: {  	[dreg:$0x2] =	wrdreg s24  }
0xb1: {  	[dreg:$0x3] =	wrdreg s2  }
0xb2: {  	[dreg:$0x4] =	wrdreg s18  }
0xb3: {  	[dreg:$0x5] =	wrdreg s4  }
0xb4: {  	[dreg:$0x6] =	wrdreg $0x9  }
0xb5: {  	_ =	task.clear_ibuf [dreg:s9], $0x7FFFF;
	_ =	strace $0x90000046  }
0xb6: {  	s29 =	simm.s32 $0x9;
	_ =	strace $0x80000048  }
0xb7: {  	_ =	swait.ge [sflag:s29], $0x1  }
0xb8: {  	[sflag:s29] =	ssyncadd.s32 $0xFFFFFFFF  }
0xb9: {  	_ =	strace $0x90000048  }
0xba: {  	_ =	sfence  }
0xbb: {  	s30 =	sld [smem:$0x0];
	_ =	sdelay $0x2  }
0xbc: {  	s31 =	sshll.u32 s1, $0xD;
	s1 =	sshrl.u32 s1, $0x2  }
0xbd: {  	s3 =	sand.u32 $0x4000, s31;
	s1 =	sadd.s32 s1, s30  }
0xbe: {  	s0 =	sor.u32 s3, s0;
	s1 =	sshll.u32 s1, $0x11  }
0xbf: {  	s0 =	sor.u32 s1, s0  }
0xc0: {  	s0 =	sadd.s32 $0x8F2B, s0  }
0xc1: {  	[sflag:s0] =	ssyncadd.remote.s32 $0x1  }
0xc2: {  	_ =	sfence.sel $0xFFFF  }
0xc3: {  	[dreg:$0x0] =	wrdreg $0xFFFFFFFF;
	(pc) =	sbr.abs _section_cstart, $3  }
0xc4: {  	[dreg:$0x1] =	wrdreg $0xFFFFFFFF  }
0xc5: {  	_ =	task.clear_ibuf [dreg:s9], $0x2FFFF;
	_ =	strace $0x9FFFFFFF  }
0xc6: {  	(tm) =	ssettm $0x7FFFFFFF  }
0xc7: {  	_ =	shalt  }
tec
execute0_lowered:
.L_overlay_start_1:
0x0: {  	(tag) =	ssettag $0x1  }
0x1: {  	s6 =	rddreg [dreg:$0x0]  }
0x2: {  	s1 =	rddreg [dreg:$0x1]  }
0x3: {  	s3 =	rddreg [dreg:$0x2]  }
0x4: {  	s8 =	rddreg [dreg:$0x3]  }
0x5: {  	s0 =	rddreg [dreg:$0x4];
	s5 =	srdreg.scid  }
0x6: {  	s2 =	stileid.u32;
	s4 =	simm.s32 $0x0;
	s15 =	simm.s32 $0x3  }
0x7: {  	s16 =	simm.s32 $0x0;
	s5 =	sand.u32 $0x1, s5;
	s7 =	sshll.u32 s2, $0x1  }
0x8: {  	[smem:$0x7FF] =	sst s4;
	s9 =	sshll.u32 s2, $0xB;
	s14 =	sadd.s32 $0x400, s6  }
0x9: {  	s7 =	sor.u32 s5, s7;
	_ =	strace $0x80000047;
	s11 =	ssub.s32 $0x2, s5  }
0xa: {  	s9 =	sand.u32 $0x6000, s9;
	s5 =	sadd.s32 $0x1400, s6;
	s10 =	sand.u32 $0x7, s7  }
0xb: {  	s13 =	sshrl.u32 s11, $0x1;
	s31 =	sshll.u32 s7, $0xC;
	s12 =	sshll.u32 s10, $0xA  }
0xc: {  	s11 =	ssub.s32 s11, s13;
	s8 =	sadd.s32 s8, s31;
	p0 =	sne.s32 s10, $0x0  }
0xd: {  	s10 =	simm.s32 $0x808;
	s12 =	sor.u32 s12, s9;
	s9 =	sshrl.u32 s9, $0x3  }
0xe: {  	s13 =	simm.s32 $0x408;
	s30 =	sadd.s32 $0xFFFFFFF8, s12;
	s7 =	sadd.s32 s14, s9  }
0xf: {  	s9 =	smax.u32 s11, $0x1;
	s11 =	simm.s32 $0x2;
	s6 =	sshrl.u32 s30, $0x3  }
0x10: {  	v0 =	vlaneseq.u32;
	s12 =	simm.s32 $0x400;
	s6 =	sadd.s32 s14, s6;
	s14 =	simm.s32 $0x828  }
.LBB2_1:
0x11: {  	[tilespmem:s10], [sflag:$0x2] =	stream.linear.gather [hbm4b:s1+s4], $0x20, $0x38;
	[tilespmem:$0x8828] =	vst v63  }
0x12: {  	s17 =	simm.s32 @p0 $0x0  }
0x13: {  	[tilespmem:s17], [sflag:$0x1] =	stream.linear.gather @p0 [hbm4b:s6+s17], $0x408, $0x38;
	[tilespmem:$0x8828] =	vst v63  }
0x14: {  	s18 =	simm.s32 @!p0 $0xFFFFFFFC;
	s17 =	simm.s32 @p0 $0x1  }
0x15: {  	s18 =	simm.s32 @p0 $0x4;
	_ =	swait.ge @p0 [sflag:s17], $0x408  }
0x16: {  	v1 =	vadd.s32 s18, v0;
	[sflag:s17] =	ssyncset.done @p0 $0x0  }
0x17: {  	vm0 =	vgt.s32 v1, $0x0;
	[sflag:s17] =	ssyncadd.s32 @p0 $0xFFFFFBF8;
	s17 =	simm.s32 @!p0 $0x0  }
0x18: {  	v1 =	vnsel vm0, $0x0, v1;
	[tilespmem:s17], [sflag:$0x1] =	stream.linear.gather @!p0 [hbm4b:s7+s17], $0x400, $0x38;
	[tilespmem:$0x8828] =	vst v63  }
0x19: {  	s17 =	simm.s32 @!p0 $0x1  }
0x1a: {  	_ =	swait.ge @!p0 [sflag:s17], $0x400  }
0x1b: {  	[sflag:s17] =	ssyncset.done @!p0 $0x0  }
0x1c: {  	s18 =	sadd.s32 $0x10, s18;
	[sflag:s17] =	ssyncadd.s32 @!p0 $0xFFFFFC00  }
0x1d: {  	s20 =	simm.s32 $0x80;
	s19 =	simm.s32 $0x0;
	v2 =	vadd.s32 s18, v0;
	s17 =	simm.s32 $0x40;
	v1 =	vld.idx.msk [tilespmem:v1+s4+$0x0], $0xffff  }
.LBB2_2:
0x1e: {  	p1 =	sne.s32 s20, $0xFC0;
	vm0 =	vgt.s32 v2, $0x0  }
0x1f: {  	v3 =	vnsel vm0, $0x0, v2  }
.Ltmp0:
0x20: {  	(pc) =	sbr.rel @p1 .LBB2_2-.Ltmp0, $4  }
0x21: {  	_ = 	snop  }
0x22: {  	s21 =	sshra.s32 s19, $0x2;
	s19 =	smov.u32 s17;
	s17 =	smov.u32 s20  }
0x23: {  	s18 =	sadd.s32 $0x10, s18;
	[tilespmem:s21+$0x408] =	vst v1  }
0x24: {  	s20 =	sadd.s32 $0x40, s20;
	v2 =	vadd.s32 s18, v0;
	v1 =	vld.idx.msk [tilespmem:v3+s4+$0x0], $0xffff  }
0x25: {  	vm0 =	vgt.s32 v2, $0x0  }
0x26: {  	v2 =	vnsel vm0, $0x0, v2;
	_ =	sdelay $0x2  }
0x27: {  	s18 =	sshra.s32 s19, $0x2  }
0x28: {  	[tilespmem:s18+$0x408] =	vst v1  }
0x29: {  	v1 =	vld.idx.msk [tilespmem:v2+s4+$0x0], $0xffff;
	_ =	sdelay $0x3  }
0x2a: {  	s17 =	sshra.s32 s17, $0x2  }
0x2b: {  	[tilespmem:s17+$0x408] =	vst v1  }
0x2c: {  	_ =	swait.ge [sflag:s11], $0x20  }
0x2d: {  	[sflag:s11] =	ssyncset.done $0x0  }
0x2e: {  	[sflag:s11] =	ssyncadd.s32 $0xFFFFFFE0  }
0x2f: {  	v2 =	vld [tilespmem:$0x808]  }
0x30: {  	v1 =	vld [tilespmem:$0x818];
	_ =	sdelay $0x2  }
0x31: {  	s17 =	simm.s32 $0x8A8  }
0x32: {  	[tilespmem:s17+$0xFFFFFF80] =	vst v2  }
0x33: {  	[tilespmem:s17+$0x70] =	vst v1  }
0x34: {  	[tilespmem:s17+$0x60] =	vst v2  }
0x35: {  	[tilespmem:s17+$0x50] =	vst v1  }
0x36: {  	[tilespmem:s17+$0x40] =	vst v2  }
0x37: {  	[tilespmem:s17+$0x30] =	vst v1  }
0x38: {  	[tilespmem:s17+$0x20] =	vst v2  }
0x39: {  	[tilespmem:s17+$0x10] =	vst v1  }
0x3a: {  	[tilespmem:s17+$0x0] =	vst v2  }
0x3b: {  	[tilespmem:s17+$0xFFFFFFF0] =	vst v1  }
0x3c: {  	[tilespmem:s17+$0xFFFFFFE0] =	vst v2  }
0x3d: {  	[tilespmem:s17+$0xFFFFFFD0] =	vst v1  }
0x3e: {  	[tilespmem:s17+$0xFFFFFFC0] =	vst v2  }
0x3f: {  	[tilespmem:s17+$0xFFFFFFB0] =	vst v1  }
0x40: {  	s18 =	simm.s32 $0x0;
	[tilespmem:s17+$0xFFFFFFA0] =	vst v2  }
.LBB2_4:
0x41: {  	s18 =	sadd.s32 $0x8, s18;
	[tilespmem:s17+$0xFFFFFF90] =	vst v1;
	s17 =	sadd.s32 $0x100, s17  }
0x42: {  	[tilespmem:s17+$0xFFFFFF80] =	vst v2;
	p1 =	slt.u32 s18, $0x3F8  }
0x43: {  	[tilespmem:s17+$0x70] =	vst v1  }
0x44: {  	[tilespmem:s17+$0x60] =	vst v2  }
0x45: {  	[tilespmem:s17+$0x50] =	vst v1  }
0x46: {  	[tilespmem:s17+$0x40] =	vst v2  }
0x47: {  	[tilespmem:s17+$0x30] =	vst v1  }
0x48: {  	[tilespmem:s17+$0x20] =	vst v2  }
0x49: {  	[tilespmem:s17+$0x10] =	vst v1  }
0x4a: {  	[tilespmem:s17+$0x0] =	vst v2  }
0x4b: {  	[tilespmem:s17+$0xFFFFFFF0] =	vst v1  }
.Ltmp1:
0x4c: {  	[tilespmem:s17+$0xFFFFFFE0] =	vst v2;
	(pc) =	sbr.rel @p1 .LBB2_4-.Ltmp1, $4  }
0x4d: {  	[tilespmem:s17+$0xFFFFFFD0] =	vst v1  }
0x4e: {  	[tilespmem:s17+$0xFFFFFFC0] =	vst v2  }
0x4f: {  	[tilespmem:s17+$0xFFFFFFB0] =	vst v1  }
0x50: {  	[tilespmem:s17+$0xFFFFFFA0] =	vst v2  }
0x51: {  	[tilespmem:s17+$0xFFFFFF90] =	vst v1  }
0x52: {  	[tilespmem:s14], [sflag:$0x2] =	stream.indirect.gather.add.f32 [hbm:s5], $0x20, s13, s12, $0xb8;
	[tilespmem:$0x8828] =	vst v63  }
0x53: {  	_ =	swait.ge [sflag:s11], $0x8000  }
0x54: {  	[sflag:s11] =	ssyncset.done $0x0  }
0x55: {  	s17 =	simm.s32 @!p0 $0x0;
	s18 =	simm.s32 @!p0 $0x828;
	[sflag:s11] =	ssyncadd.s32 $0xFFFF8000  }
0x56: {  	[tilespmem:s18], [sflag:$0x3] =	stream.linear.gather @!p0 [hbm4b:s3+s17], $0x80, $0x38;
	[tilespmem:$0x8828] =	vst v63  }
0x57: {  	s17 =	simm.s32 @!p0 $0x3  }
0x58: {  	s16 =	sadd.s32 $0x1, s16;
	_ =	swait.ge @!p0 [sflag:s17], $0x80  }
0x59: {  	p1 =	sne.s32 s16, s9;
	[sflag:s17] =	ssyncset.done @!p0 $0x0  }
.Ltmp2:
0x5a: {  	[sflag:s17] =	ssyncadd.s32 @!p0 $0xFFFFFF80;
	(pc) =	sbr.rel @p1 .LBB2_1-.Ltmp2, $4  }
0x5b: {  	[hbm4b:s8+s4] =	stream.linear.scatter [tilespmem:s14], [sflag:$0x3], $0x8000, $0x38;
	[tilespmem:$0x8828] =	vst v63  }
0x5c: {  	_ =	swait.ge [sflag:s15], $0x8000  }
0x5d: {  	[sflag:s15] =	ssyncset.done $0x0  }
0x5e: {  	[sflag:s15] =	ssyncadd.s32 $0xFFFF8000  }
0x5f: {  	_ =	sfence.sel $0x180000  }
0x60: {  	[bflag:$0x0] =	sbarrier.arrive $0xFFFF  }
0x61: {  	p0 =	sne.s32 s2, $0x0;
	_ =	strace $0x90000047  }
0x62: {  	s0 =	sadd.s32 @!p0 $0x100000, s0;
	[bflag:$0x2] =	sbarrier.arrive $0xFFFF  }
0x63: {  	[sflag:s0] =	ssyncadd.tile.s32 @!p0 $0x1;
	_ =	shalt  }
.Lfunc_end2:
_tile_overlayer_lowered:
.L_overlay_start_2:
0x64: {  	(tag) =	ssettag $0x2  }
0x65: {  	s0 =	rddreg [dreg:$0x0];
	s2 =	stileid.u32  }
0x66: {  	s1 =	rddreg [dreg:$0x1];
	p0 =	sne.s32 s2, $0x0  }
0x67: {  	s3 =	rddreg [dreg:$0x2];
	[bflag:$0x3] =	sbarrier.arrive $0xFFFF;
	s2 =	simm.s32 @!p0 $0x1C03  }
0x68: {  	[timem:s3], [sflag:s2] =	dma.local @!p0 [hbm:s0], s1  }
0x69: {  	s0 =	simm.s32 @!p0 $0x3  }
0x6a: {  	_ =	swait.ge @!p0 [sflag:s0], s1  }
0x6b: {  	s1 =	ssub.s32 @!p0 $0x0, s1;
	[sflag:s0] =	ssyncset.done @!p0 $0x0  }
0x6c: {  	[sflag:s0] =	ssyncadd.s32 @!p0 s1  }
0x6d: {  	[bflag:$0x3] =	sbarrier.arrive $0xFFFF  }
0x6e: {  	_ =	shalt  }

</sc_bundles>
